<compile_context>
chip_gen: v7x
topology: tpu7x:2x2x1
jax: 0.10.2.dev20260603
libtpu: 0.0.44.dev20260713+nightly
codegen_flags: <defaults>
</compile_context>

<pallas_src>
import functools

import jax
import jax.numpy as jnp
from jax import lax
from jax.experimental import pallas as pl
from jax.experimental.pallas import tpu as pltpu
from jax.experimental.pallas import tpu_sc as plsc

E = 16
D = 2048
F = 1024
T = 64

C = 512
J = F // C

NC = 2
NS = 16
NW = NC * NS
TPW = T // NW


def _sc_routing_body(g_hbm, out_hbm, g_v, mw_v, ps_v):
    wid = lax.axis_index("s") * NC + lax.axis_index("c")
    base = wid * TPW
    pltpu.sync_copy(g_hbm.at[pl.ds(base, TPW)], g_v)
    idx = lax.iota(jnp.int32, 16)
    for t in range(TPW):
        v = g_v[t]
        ks, vs = plsc.sort_key_val(v, idx, descending=True)
        ps = jnp.exp(ks)
        ps_v[...] = ps
        zero = jnp.minimum(vs, 0)
        one = zero + 1
        d1 = plsc.load_gather(ps_v, [zero])
        d2 = plsc.load_gather(ps_v, [one])
        mw_sorted = jnp.where(idx < 2, ps / (d1 + d2), 0.0)
        tvec = zero + t
        plsc.store_scatter(mw_v, [tvec, vs], mw_sorted)
    pltpu.sync_copy(mw_v, out_hbm.at[pl.ds(base, TPW)])


_sc_routing = functools.partial(
    pl.kernel,
    out_type=jax.ShapeDtypeStruct((T, E), jnp.float32),
    mesh=plsc.VectorSubcoreMesh(core_axis_name="c", subcore_axis_name="s"),
    compiler_params=pltpu.CompilerParams(needs_layout_passes=False),
    scratch_types=[
        pltpu.VMEM((TPW, E), jnp.float32),
        pltpu.VMEM((TPW, E), jnp.float32),
        pltpu.VMEM((E,), jnp.float32),
    ],
)(_sc_routing_body)


def _moe_kernel(x_ref, mw_ref, wg_ref, wu_ref, w2_ref,
                w13s_ref, w2s_ref, out_ref):
    e = pl.program_id(0)
    j = pl.program_id(1)

    xb = x_ref[...].astype(jnp.bfloat16)
    s1 = w13s_ref[e]
    dn = (((1,), (1,)), ((), ()))

    wg = wg_ref[0].astype(jnp.bfloat16)
    wu = wu_ref[0].astype(jnp.bfloat16)
    w2 = w2_ref[0].astype(jnp.bfloat16)
    gate = jax.lax.dot_general(xb, wg, dn,
                               preferred_element_type=jnp.float32) * s1
    up = jax.lax.dot_general(xb, wu, dn,
                             preferred_element_type=jnp.float32) * s1
    h = (gate * jax.lax.logistic(gate)) * up
    y = jax.lax.dot_general(h.astype(jnp.bfloat16), w2, dn,
                            preferred_element_type=jnp.float32)

    idx = jax.lax.broadcasted_iota(jnp.int32, (T, E), 1)
    mw = jnp.sum(jnp.where(idx == e, mw_ref[...], 0.0), axis=1,
                 keepdims=True)
    contrib = y * (mw * w2s_ref[e])

    @pl.when(jnp.logical_and(e == 0, j == 0))
    def _init():
        out_ref[...] = jnp.zeros_like(out_ref)

    out_ref[...] += contrib


@jax.jit
def kernel(x, gating_output, w13_q, w13_scale, w2_q, w2_scale):
    mw_map = _sc_routing(gating_output)
    return pl.pallas_call(
        _moe_kernel,
        grid=(E, J),
        in_specs=[
            pl.BlockSpec((T, D), lambda e, j: (0, 0)),
            pl.BlockSpec((T, E), lambda e, j: (0, 0)),
            pl.BlockSpec((1, C, D), lambda e, j: (e, j, 0)),
            pl.BlockSpec((1, C, D), lambda e, j: (e, J + j, 0)),
            pl.BlockSpec((1, D, C), lambda e, j: (e, 0, j)),
            pl.BlockSpec(memory_space=pltpu.SMEM),
            pl.BlockSpec(memory_space=pltpu.SMEM),
        ],
        out_specs=pl.BlockSpec((T, D), lambda e, j: (0, 0)),
        out_shape=jax.ShapeDtypeStruct((T, D), jnp.float32),
    )(x, mw_map, w13_q, w13_q, w2_q, w13_scale, w2_scale)

# --- scband reference (transcript-rebuilt; emitter-appended) ---
"""Pipeline reference for scband-fp8-sparse-mo-elayer-5995774345591 (READ-ONLY COPY).

The authoritative reference and input builder live on the scoring server;
editing this copy changes nothing except your own understanding.
"""

import jax, jax.numpy as jnp
import numpy as np

E = 16   # n_experts
D = 2048 # d_model
F = 1024 # d_ff (intermediate per expert)
T = 64   # tokens (batch=64, q_len=1 decode)
K = 2    # top_k
FP8_MAX = 448.0


def fake_fp8(v):
    # emulate e4m3 quantization (round via fp8 cast), straight-through for grads
    q = jnp.clip(v, -FP8_MAX, FP8_MAX).astype(jnp.float8_e4m3fn).astype(jnp.float32)
    return v + jax.lax.stop_gradient(q - v)


def setup_inputs(seed: int = 0) -> dict:
    key = jax.random.key(seed)
    k1, k2, k3, k4 = jax.random.split(key, 4)
    x = jax.random.normal(k1, (T, D), dtype=jnp.float32)
    gating_output = jax.random.normal(k2, (T, E), dtype=jnp.float32)
    # expert weights: fused gate+up proj [E, 2F, D], down proj [E, D, F]
    w13 = jax.random.normal(k3, (E, 2 * F, D), dtype=jnp.float32) * 0.02
    w2 = jax.random.normal(k4, (E, D, F), dtype=jnp.float32) * 0.02
    # per-expert scalar fp8 quantization (fp8_quantize(scalar=True))
    w13_scale = jnp.max(jnp.abs(w13), axis=(1, 2)) / FP8_MAX
    w2_scale = jnp.max(jnp.abs(w2), axis=(1, 2)) / FP8_MAX
    w13_q = fake_fp8(w13 / w13_scale[:, None, None])
    w2_q = fake_fp8(w2 / w2_scale[:, None, None])
    return {
        "x": x,
        "gating_output": gating_output,
        "w13_q": w13_q,
        "w13_scale": w13_scale,
        "w2_q": w2_q,
        "w2_scale": w2_scale,
    }


def reference(x, gating_output, w13_q, w13_scale, w2_q, w2_scale):
    # select_experts: softmax scoring, top-k, renormalize
    scores = jax.nn.softmax(gating_output, axis=-1)
    topk_weights, topk_ids = jax.lax.top_k(scores, K)
    topk_weights = topk_weights / jnp.sum(topk_weights, axis=-1, keepdims=True)
    # dynamic_quant(x, single_scale=True)
    x_scale = jnp.max(jnp.abs(x)) / FP8_MAX
    x_dq = fake_fp8(x / x_scale) * x_scale
    out = jnp.zeros_like(x)
    for e in range(E):
        w13 = w13_q[e] * w13_scale[e]  # dequant fp8 expert weight
        w2 = w2_q[e] * w2_scale[e]
        gu = x_dq @ w13.T              # [T, 2F]
        gate, up = jnp.split(gu, 2, axis=-1)
        h = jax.nn.silu(gate) * up     # silu activation (permuted gate/up)
        y = h @ w2.T                   # [T, D]
        mw = jnp.sum(jnp.where(topk_ids == e, topk_weights, 0.0), axis=-1)
        out = out + y * mw[:, None]
    return out

if __name__ == "__main__":
    import jax
    _d = setup_inputs()
    print(jax.jit(kernel)(*tuple(_d.values())))

</pallas_src>

<mosaic_0001>
#map = affine_map<(d0, d1) -> (0, 0)>
module attributes {stable_mosaic.version = 14 : i64} {
  func.func @_sc_routing_body(%arg0: i32, %arg1: i32, %arg2: memref<64x16xf32, #tpu.memory_space<hbm>>, %arg3: memref<64x16xf32, #tpu.memory_space<hbm>>, %arg4: memref<2x16xf32, #tpu.memory_space<vmem>>, %arg5: memref<2x16xf32, #tpu.memory_space<vmem>>, %arg6: memref<16xf32, #tpu.memory_space<vmem>>) attributes {dimension_semantics = [#tpu.dimension_semantics<core_parallel>, #tpu.dimension_semantics<subcore_parallel>], iteration_bounds = array<i64: 2, 16>, scalar_prefetch = 0 : i64, scratch_operands = 3 : i64, tpu.core_type = #tpu.core_type<sc_vector_subcore>, window_params = [{transform_indices = #map}, {transform_indices = #map}]} {
    %mul3A = arith.constant 2 : i32
    %mul3A_0 = arith.muli %arg1, %mul3A : i32
    %add3A = arith.addi %mul3A_0, %arg0 : i32
    %mul3A_1 = arith.constant 2 : i32
    %mul3A_2 = arith.muli %add3A, %mul3A_1 : i32
    "tpu.region"() ({
      %run_scoped3A = tpu.sem_alloc : memref<!tpu.dma_semaphore, #tpu.memory_space<semaphore_mem>>
      %dma_start3A = arith.constant 0 : i32
      %dma_start3A_52 = tpu.memref_slice %arg2[%mul3A_2, %dma_start3A] : memref<64x16xf32, #tpu.memory_space<hbm>> -> memref<2x16xf32, #tpu.memory_space<hbm>>
      %dma_start3A_53 = arith.constant 0 : i32
      %dma_start3A_54 = tpu.memref_slice %arg2[%mul3A_2, %dma_start3A_53] : memref<64x16xf32, #tpu.memory_space<hbm>> -> memref<2x16xf32, #tpu.memory_space<hbm>>
      tpu.enqueue_dma source(%dma_start3A_54 : memref<2x16xf32, #tpu.memory_space<hbm>>) target(%arg4 : memref<2x16xf32, #tpu.memory_space<vmem>>) target_semaphore(%run_scoped3A : memref<!tpu.dma_semaphore, #tpu.memory_space<semaphore_mem>>)
      %dma_wait3A = arith.constant 0 : i32
      %dma_wait3A_55 = tpu.memref_slice %arg2[%mul3A_2, %dma_wait3A] : memref<64x16xf32, #tpu.memory_space<hbm>> -> memref<2x16xf32, #tpu.memory_space<hbm>>
      %dma_wait3A_56 = arith.constant 0 : i32
      %dma_wait3A_57 = tpu.memref_slice %arg2[%mul3A_2, %dma_wait3A_56] : memref<64x16xf32, #tpu.memory_space<hbm>> -> memref<2x16xf32, #tpu.memory_space<hbm>>
      tpu.wait_dma2 semaphore(%run_scoped3A : memref<!tpu.dma_semaphore, #tpu.memory_space<semaphore_mem>>) src(%dma_wait3A_57 : memref<2x16xf32, #tpu.memory_space<hbm>>) dst(%arg4 : memref<2x16xf32, #tpu.memory_space<vmem>>)
      tpu.yield
    }) : () -> ()
    %iota3A = tpu.iota {dimensions = array<i32: 0>} : vector<16xi32>
    %get3A = arith.constant 0 : i32
    %get3A_3 = arith.index_cast %get3A : i32 to index
    %get3A_4 = arith.constant 0 : index
    %get3A_5 = tpu.vector_load %arg4[%get3A_3, %get3A_4] {strides = array<i32>} : memref<2x16xf32, #tpu.memory_space<vmem>>, vector<16xf32>,
    %masked_sort3A = arith.constant dense<true> : vector<16xi1>
    %masked_sort3A_6, %masked_sort3A_7, %masked_sort3A_8 = tpu.sort %get3A_5, %iota3A masked %masked_sort3A {descending = true} : (vector<16xf32>, vector<16xi32>, vector<16xi1>) -> (vector<16xi1>, vector<16xf32>, vector<16xi32>)
    %exp3A = math.exp %masked_sort3A_7 : vector<16xf32>
    %swap3A = arith.constant 0 : index
    %swap3A_9 = tpu.vector_load %arg6[%swap3A] {strides = array<i32>} : memref<16xf32, #tpu.memory_space<vmem>>, vector<16xf32>,
    tpu.vector_store %arg6[%swap3A], %exp3A {strides = array<i32>} : memref<16xf32, #tpu.memory_space<vmem>>, vector<16xf32>,
    %min3A = arith.constant 0 : i32
    %min3A_10 = vector.broadcast %min3A : i32 to vector<16xi32>
    %min3A_11 = arith.minsi %masked_sort3A_8, %min3A_10 : vector<16xi32>
    %add3A_12 = arith.constant 1 : i32
    %add3A_13 = vector.broadcast %add3A_12 : i32 to vector<16xi32>
    %add3A_14 = arith.addi %min3A_11, %add3A_13 : vector<16xi32>
    %gather3A = tpu.vector_load_idx %arg6[%min3A_11] : memref<16xf32, #tpu.memory_space<vmem>>[vector<16xi32>], vector<16xf32>,
    %gather3A_15 = tpu.vector_load_idx %arg6[%add3A_14] : memref<16xf32, #tpu.memory_space<vmem>>[vector<16xi32>], vector<16xf32>,
    %lt3A = arith.constant 2 : i32
    %lt3A_16 = vector.broadcast %lt3A : i32 to vector<16xi32>
    %lt3A_17 = arith.cmpi slt, %iota3A, %lt3A_16 : vector<16xi32>
    %add3A_18 = arith.addf %gather3A, %gather3A_15 : vector<16xf32>
    %div3A = arith.divf %exp3A, %add3A_18 : vector<16xf32>
    %jit3A = arith.constant 0.000000e+00 : f32
    %broadcast_in_dim3A = vector.broadcast %jit3A : f32 to vector<16xf32>
    %select_n3A = arith.select %lt3A_17, %div3A, %broadcast_in_dim3A : vector<16xi1>, vector<16xf32>
    %add3A_19 = arith.constant 0 : i32
    %add3A_20 = vector.broadcast %add3A_19 : i32 to vector<16xi32>
    %add3A_21 = arith.addi %min3A_11, %add3A_20 : vector<16xi32>
    tpu.vector_store_idx %arg5[%add3A_21, %masked_sort3A_8], %select_n3A : memref<2x16xf32, #tpu.memory_space<vmem>>[vector<16xi32>, vector<16xi32>], vector<16xf32>,
    %get3A_22 = arith.constant 1 : i32
    %get3A_23 = arith.index_cast %get3A_22 : i32 to index
    %get3A_24 = arith.constant 0 : index
    %get3A_25 = tpu.vector_load %arg4[%get3A_23, %get3A_24] {strides = array<i32>} : memref<2x16xf32, #tpu.memory_space<vmem>>, vector<16xf32>,
    %masked_sort3A_26 = arith.constant dense<true> : vector<16xi1>
    %masked_sort3A_27, %masked_sort3A_28, %masked_sort3A_29 = tpu.sort %get3A_25, %iota3A masked %masked_sort3A_26 {descending = true} : (vector<16xf32>, vector<16xi32>, vector<16xi1>) -> (vector<16xi1>, vector<16xf32>, vector<16xi32>)
    %exp3A_30 = math.exp %masked_sort3A_28 : vector<16xf32>
    %swap3A_31 = arith.constant 0 : index
    %swap3A_32 = tpu.vector_load %arg6[%swap3A_31] {strides = array<i32>} : memref<16xf32, #tpu.memory_space<vmem>>, vector<16xf32>,
    tpu.vector_store %arg6[%swap3A_31], %exp3A_30 {strides = array<i32>} : memref<16xf32, #tpu.memory_space<vmem>>, vector<16xf32>,
    %min3A_33 = arith.constant 0 : i32
    %min3A_34 = vector.broadcast %min3A_33 : i32 to vector<16xi32>
    %min3A_35 = arith.minsi %masked_sort3A_29, %min3A_34 : vector<16xi32>
    %add3A_36 = arith.constant 1 : i32
    %add3A_37 = vector.broadcast %add3A_36 : i32 to vector<16xi32>
    %add3A_38 = arith.addi %min3A_35, %add3A_37 : vector<16xi32>
    %gather3A_39 = tpu.vector_load_idx %arg6[%min3A_35] : memref<16xf32, #tpu.memory_space<vmem>>[vector<16xi32>], vector<16xf32>,
    %gather3A_40 = tpu.vector_load_idx %arg6[%add3A_38] : memref<16xf32, #tpu.memory_space<vmem>>[vector<16xi32>], vector<16xf32>,
    %lt3A_41 = arith.constant 2 : i32
    %lt3A_42 = vector.broadcast %lt3A_41 : i32 to vector<16xi32>
    %lt3A_43 = arith.cmpi slt, %iota3A, %lt3A_42 : vector<16xi32>
    %add3A_44 = arith.addf %gather3A_39, %gather3A_40 : vector<16xf32>
    %div3A_45 = arith.divf %exp3A_30, %add3A_44 : vector<16xf32>
    %jit3A_46 = arith.constant 0.000000e+00 : f32
    %broadcast_in_dim3A_47 = vector.broadcast %jit3A_46 : f32 to vector<16xf32>
    %select_n3A_48 = arith.select %lt3A_43, %div3A_45, %broadcast_in_dim3A_47 : vector<16xi1>, vector<16xf32>
    %add3A_49 = arith.constant 1 : i32
    %add3A_50 = vector.broadcast %add3A_49 : i32 to vector<16xi32>
    %add3A_51 = arith.addi %min3A_35, %add3A_50 : vector<16xi32>
    tpu.vector_store_idx %arg5[%add3A_51, %masked_sort3A_29], %select_n3A_48 : memref<2x16xf32, #tpu.memory_space<vmem>>[vector<16xi32>, vector<16xi32>], vector<16xf32>,
    "tpu.region"() ({
      %run_scoped3A = tpu.sem_alloc : memref<!tpu.dma_semaphore, #tpu.memory_space<semaphore_mem>>
      %dma_start3A = arith.constant 0 : i32
      %dma_start3A_52 = tpu.memref_slice %arg3[%mul3A_2, %dma_start3A] : memref<64x16xf32, #tpu.memory_space<hbm>> -> memref<2x16xf32, #tpu.memory_space<hbm>>
      %dma_start3A_53 = arith.constant 0 : i32
      %dma_start3A_54 = tpu.memref_slice %arg3[%mul3A_2, %dma_start3A_53] : memref<64x16xf32, #tpu.memory_space<hbm>> -> memref<2x16xf32, #tpu.memory_space<hbm>>
      tpu.enqueue_dma source(%arg5 : memref<2x16xf32, #tpu.memory_space<vmem>>) target(%dma_start3A_54 : memref<2x16xf32, #tpu.memory_space<hbm>>) target_semaphore(%run_scoped3A : memref<!tpu.dma_semaphore, #tpu.memory_space<semaphore_mem>>)
      %dma_wait3A = arith.constant 0 : i32
      %dma_wait3A_55 = tpu.memref_slice %arg3[%mul3A_2, %dma_wait3A] : memref<64x16xf32, #tpu.memory_space<hbm>> -> memref<2x16xf32, #tpu.memory_space<hbm>>
      %dma_wait3A_56 = arith.constant 0 : i32
      %dma_wait3A_57 = tpu.memref_slice %arg3[%mul3A_2, %dma_wait3A_56] : memref<64x16xf32, #tpu.memory_space<hbm>> -> memref<2x16xf32, #tpu.memory_space<hbm>>
      tpu.wait_dma2 semaphore(%run_scoped3A : memref<!tpu.dma_semaphore, #tpu.memory_space<semaphore_mem>>) src(%arg5 : memref<2x16xf32, #tpu.memory_space<vmem>>) dst(%dma_wait3A_57 : memref<2x16xf32, #tpu.memory_space<hbm>>)
      tpu.yield
    }) : () -> ()
    return
  }
}

module attributes {stable_mosaic.version = 14 : i64} {
  func.func @_moe_kernel(%arg0: i32, %arg1: i32, %arg2: memref<64x2048xf32, #tpu.memory_space<vmem>>, %arg3: memref<64x16xf32, #tpu.memory_space<vmem>>, %arg4: memref<1x512x2048xf32, #tpu.memory_space<vmem>>, %arg5: memref<1x512x2048xf32, #tpu.memory_space<vmem>>, %arg6: memref<1x2048x512xf32, #tpu.memory_space<vmem>>, %arg7: memref<16xf32, #tpu.memory_space<smem>>, %arg8: memref<16xf32, #tpu.memory_space<smem>>, %arg9: memref<64x2048xf32, #tpu.memory_space<vmem>>) attributes {dimension_semantics = [#tpu.dimension_semantics<arbitrary>, #tpu.dimension_semantics<arbitrary>], iteration_bounds = array<i64: 16, 2>, scalar_prefetch = 0 : i64, scratch_operands = 0 : i64, tpu.core_type = #tpu.core_type<tc>, window_params = [{pipeline_mode = #tpu.pipeline_mode<synchronous>, transform_indices = @transform_0, window_bounds = array<i64: 64, 2048>}, {pipeline_mode = #tpu.pipeline_mode<synchronous>, transform_indices = @transform_1, window_bounds = array<i64: 64, 16>}, {transform_indices = @transform_2, window_bounds = array<i64: 1, 512, 2048>}, {transform_indices = @transform_3, window_bounds = array<i64: 1, 512, 2048>}, {transform_indices = @transform_4, window_bounds = array<i64: 1, 2048, 512>}, {transform_indices = @transform_5, window_bounds = array<i64: 16>}, {transform_indices = @transform_6, window_bounds = array<i64: 16>}, {pipeline_mode = #tpu.pipeline_mode<synchronous>, transform_indices = @transform_7, window_bounds = array<i64: 64, 2048>}]} {
    %get3A = arith.constant 0 : index
    %get3A_0 = arith.constant 0 : index
    %get3A_1 = vector.load %arg2[%get3A, %get3A_0] : memref<64x2048xf32, #tpu.memory_space<vmem>>, vector<64x2048xf32>
    %convert_element_type3A = arith.truncf %get3A_1 : vector<64x2048xf32> to vector<64x2048xbf16>
    %get3A_2 = arith.index_cast %arg0 : i32 to index
    %get3A_3 = memref.load %arg7[%get3A_2] : memref<16xf32, #tpu.memory_space<smem>>
    %get3A_4 = arith.constant 0 : index
    %get3A_5 = arith.constant 0 : index
    %get3A_6 = arith.constant 0 : index
    %get3A_7 = vector.load %arg4[%get3A_4, %get3A_5, %get3A_6] : memref<1x512x2048xf32, #tpu.memory_space<vmem>>, vector<1x512x2048xf32>
    %get3A_8 = vector.shape_cast %get3A_7 : vector<1x512x2048xf32> to vector<512x2048xf32>
    %convert_element_type3A_9 = arith.truncf %get3A_8 : vector<512x2048xf32> to vector<512x2048xbf16>
    %get3A_10 = arith.constant 0 : index
    %get3A_11 = arith.constant 0 : index
    %get3A_12 = arith.constant 0 : index
    %get3A_13 = vector.load %arg5[%get3A_10, %get3A_11, %get3A_12] : memref<1x512x2048xf32, #tpu.memory_space<vmem>>, vector<1x512x2048xf32>
    %get3A_14 = vector.shape_cast %get3A_13 : vector<1x512x2048xf32> to vector<512x2048xf32>
    %convert_element_type3A_15 = arith.truncf %get3A_14 : vector<512x2048xf32> to vector<512x2048xbf16>
    %get3A_16 = arith.constant 0 : index
    %get3A_17 = arith.constant 0 : index
    %get3A_18 = arith.constant 0 : index
    %get3A_19 = vector.load %arg6[%get3A_16, %get3A_17, %get3A_18] : memref<1x2048x512xf32, #tpu.memory_space<vmem>>, vector<1x2048x512xf32>
    %get3A_20 = vector.shape_cast %get3A_19 : vector<1x2048x512xf32> to vector<2048x512xf32>
    %convert_element_type3A_21 = arith.truncf %get3A_20 : vector<2048x512xf32> to vector<2048x512xbf16>
    %dot_general3A = arith.constant dense<0.000000e+00> : vector<64x512xf32>
    %dot_general3A_22 = tpu.matmul %convert_element_type3A, %convert_element_type3A_9, %dot_general3A {dimension_numbers = #tpu.dot_dimension_numbers<[1], [1], [0], [0], [0, 0, 1, 0], [], []>, transpose_lhs_hint = false} : vector<64x2048xbf16>, vector<512x2048xbf16>, vector<64x512xf32> -> vector<64x512xf32>
    %mul3A = vector.broadcast %get3A_3 : f32 to vector<64x512xf32>
    %mul3A_23 = arith.mulf %dot_general3A_22, %mul3A : vector<64x512xf32>
    %dot_general3A_24 = arith.constant dense<0.000000e+00> : vector<64x512xf32>
    %dot_general3A_25 = tpu.matmul %convert_element_type3A, %convert_element_type3A_15, %dot_general3A_24 {dimension_numbers = #tpu.dot_dimension_numbers<[1], [1], [0], [0], [0, 0, 1, 0], [], []>, transpose_lhs_hint = false} : vector<64x2048xbf16>, vector<512x2048xbf16>, vector<64x512xf32> -> vector<64x512xf32>
    %mul3A_26 = vector.broadcast %get3A_3 : f32 to vector<64x512xf32>
    %mul3A_27 = arith.mulf %dot_general3A_25, %mul3A_26 : vector<64x512xf32>
    %logistic3A = arith.negf %mul3A_23 : vector<64x512xf32>
    %logistic3A_28 = math.exp %logistic3A : vector<64x512xf32>
    %logistic3A_29 = arith.constant 1.000000e+00 : f32
    %logistic3A_30 = vector.broadcast %logistic3A_29 : f32 to vector<64x512xf32>
    %logistic3A_31 = arith.addf %logistic3A_30, %logistic3A_28 : vector<64x512xf32>
    %logistic3A_32 = arith.divf %logistic3A_30, %logistic3A_31 : vector<64x512xf32>
    %mul3A_33 = arith.mulf %mul3A_23, %logistic3A_32 : vector<64x512xf32>
    %mul3A_34 = arith.mulf %mul3A_33, %mul3A_27 : vector<64x512xf32>
    %convert_element_type3A_35 = arith.truncf %mul3A_34 : vector<64x512xf32> to vector<64x512xbf16>
    %dot_general3A_36 = arith.constant dense<0.000000e+00> : vector<64x2048xf32>
    %dot_general3A_37 = tpu.matmul %convert_element_type3A_35, %convert_element_type3A_21, %dot_general3A_36 {dimension_numbers = #tpu.dot_dimension_numbers<[1], [1], [0], [0], [0, 0, 1, 0], [], []>, transpose_lhs_hint = false} : vector<64x512xbf16>, vector<2048x512xbf16>, vector<64x2048xf32> -> vector<64x2048xf32>
    %iota3A = tpu.iota {dimensions = array<i32: 1>} : vector<64x16xi32>
    %eq3A = vector.broadcast %arg0 : i32 to vector<64x16xi32>
    %eq3A_38 = arith.cmpi eq, %iota3A, %eq3A : vector<64x16xi32>
    %get3A_39 = arith.constant 0 : index
    %get3A_40 = arith.constant 0 : index
    %get3A_41 = vector.load %arg3[%get3A_39, %get3A_40] : memref<64x16xf32, #tpu.memory_space<vmem>>, vector<64x16xf32>
    %jit3A = arith.constant 0.000000e+00 : f32
    %broadcast_in_dim3A = vector.broadcast %jit3A : f32 to vector<64x16xf32>
    %select_n3A = arith.select %eq3A_38, %get3A_41, %broadcast_in_dim3A : vector<64x16xi1>, vector<64x16xf32>
    %reduce_sum3A = arith.constant dense<0.000000e+00> : vector<64xf32>
    %reduce_sum3A_42 = vector.multi_reduction <add>, %select_n3A, %reduce_sum3A [1] : vector<64x16xf32> to vector<64xf32>
    %broadcast_in_dim3A_43 = vector.shape_cast %reduce_sum3A_42 : vector<64xf32> to vector<64x1xf32>
    %get3A_44 = arith.index_cast %arg0 : i32 to index
    %get3A_45 = memref.load %arg8[%get3A_44] : memref<16xf32, #tpu.memory_space<smem>>
    %mul3A_46 = vector.broadcast %get3A_45 : f32 to vector<64x1xf32>
    %mul3A_47 = arith.mulf %broadcast_in_dim3A_43, %mul3A_46 : vector<64x1xf32>
    %mul3A_48 = vector.broadcast %mul3A_47 : vector<64x1xf32> to vector<64x2048xf32>
    %mul3A_49 = arith.mulf %dot_general3A_37, %mul3A_48 : vector<64x2048xf32>
    %eq3A_50 = arith.constant 0 : i32
    %eq3A_51 = arith.cmpi eq, %arg0, %eq3A_50 : i32
    %eq3A_52 = arith.constant 0 : i32
    %eq3A_53 = arith.cmpi eq, %arg1, %eq3A_52 : i32
    %and3A = arith.andi %eq3A_51, %eq3A_53 : i1
    %convert_element_type3A_54 = arith.extui %and3A : i1 to i32
    %cond3A = arith.constant 0 : i32
    %cond3A_55 = arith.cmpi ne, %convert_element_type3A_54, %cond3A : i32
    scf.if %cond3A_55 {
      %broadcast_in_dim3A_61 = arith.constant 0.000000e+00 : f32
      %broadcast_in_dim3A_62 = vector.broadcast %broadcast_in_dim3A_61 : f32 to vector<64x2048xf32>
      %swap3A_63 = arith.constant 0 : index
      %swap3A_64 = arith.constant 0 : index
      %swap3A_65 = vector.load %arg9[%swap3A_63, %swap3A_64] : memref<64x2048xf32, #tpu.memory_space<vmem>>, vector<64x2048xf32>
      tpu.vector_store %arg9[%swap3A_63, %swap3A_64], %broadcast_in_dim3A_62 {strides = array<i32>} : memref<64x2048xf32, #tpu.memory_space<vmem>>, vector<64x2048xf32>,
    } else {
    }
    %get3A_56 = arith.constant 0 : index
    %get3A_57 = arith.constant 0 : index
    %get3A_58 = vector.load %arg9[%get3A_56, %get3A_57] : memref<64x2048xf32, #tpu.memory_space<vmem>>, vector<64x2048xf32>
    %add3A = arith.addf %get3A_58, %mul3A_49 : vector<64x2048xf32>
    %swap3A = arith.constant 0 : index
    %swap3A_59 = arith.constant 0 : index
    %swap3A_60 = vector.load %arg9[%swap3A, %swap3A_59] : memref<64x2048xf32, #tpu.memory_space<vmem>>, vector<64x2048xf32>
    tpu.vector_store %arg9[%swap3A, %swap3A_59], %add3A {strides = array<i32>} : memref<64x2048xf32, #tpu.memory_space<vmem>>, vector<64x2048xf32>,
    return
  }
  func.func @transform_0(%arg0: i32, %arg1: i32) -> (i32, i32) {
    %c0_i32 = arith.constant 0 : i32
    %c0_i32_0 = arith.constant 0 : i32
    %c0_i32_1 = arith.constant 0 : i32
    return %c0_i32, %c0_i32_0 : i32, i32
  }
  func.func @transform_1(%arg0: i32, %arg1: i32) -> (i32, i32) {
    %c0_i32 = arith.constant 0 : i32
    %c0_i32_0 = arith.constant 0 : i32
    %c0_i32_1 = arith.constant 0 : i32
    return %c0_i32, %c0_i32_0 : i32, i32
  }
  func.func @transform_2(%arg0: i32, %arg1: i32) -> (i32, i32, i32) {
    %c0_i32 = arith.constant 0 : i32
    %c0_i32_0 = arith.constant 0 : i32
    return %arg0, %arg1, %c0_i32 : i32, i32, i32
  }
  func.func @transform_3(%arg0: i32, %arg1: i32) -> (i32, i32, i32) {
    %add3A = arith.constant 2 : i32
    %add3A_0 = arith.addi %add3A, %arg1 : i32
    %c0_i32 = arith.constant 0 : i32
    %c0_i32_1 = arith.constant 0 : i32
    return %arg0, %add3A_0, %c0_i32 : i32, i32, i32
  }
  func.func @transform_4(%arg0: i32, %arg1: i32) -> (i32, i32, i32) {
    %c0_i32 = arith.constant 0 : i32
    %c0_i32_0 = arith.constant 0 : i32
    return %arg0, %c0_i32, %arg1 : i32, i32, i32
  }
  func.func @transform_5(%arg0: i32, %arg1: i32) -> i32 {
    %c0_i32 = arith.constant 0 : i32
    %c0_i32_0 = arith.constant 0 : i32
    return %c0_i32 : i32
  }
  func.func @transform_6(%arg0: i32, %arg1: i32) -> i32 {
    %c0_i32 = arith.constant 0 : i32
    %c0_i32_0 = arith.constant 0 : i32
    return %c0_i32 : i32
  }
  func.func @transform_7(%arg0: i32, %arg1: i32) -> (i32, i32) {
    %c0_i32 = arith.constant 0 : i32
    %c0_i32_0 = arith.constant 0 : i32
    %c0_i32_1 = arith.constant 0 : i32
    return %c0_i32, %c0_i32_0 : i32, i32
  }
}

</mosaic_0001>

<sc_bundles>
// kernel: kernel.4.cloned.1.call-start
scs
__scs_entry_jumppad:
0x0: {  	(pc) =	sbr.rel $0x88, $3  }
0x1: {  	(tag) =	ssettag $0x0;
	lr =	simm.s32 $0x1  }
0x2: {  	[smem:$0x3F9B] =	sst lr;
	_ =	strace $0xD0000000  }
0x3: {  	_ = 	snop  }
0x4: {  	_ = 	snop  }
0x5: {  	_ = 	snop  }
0x6: {  	_ = 	snop  }
0x7: {  	_ = 	snop  }
__scs_overlays_trampoline_lowered:
0x8: {  	[smem:$0x3FAA] =	sst s0  }
0x9: {  	[smem:$0x3FAB] =	sst s1  }
0xa: {  	[smem:$0x3FAC] =	sst s2  }
0xb: {  	[smem:$0x3FAD] =	sst s3  }
0xc: {  	[smem:$0x3FAE] =	sst s4  }
0xd: {  	[smem:$0x3FAF] =	sst s5  }
0xe: {  	[smem:$0x3FB0] =	sst s6  }
0xf: {  	[smem:$0x3FB1] =	sst s7  }
0x10: {  	[smem:$0x3FB2] =	sst s8  }
0x11: {  	[smem:$0x3FB3] =	sst s9;
	s0 =	simm.s32 @!p0 $0x0  }
0x12: {  	s1 =	sld [smem:$0x3F99];
	s0 =	simm.s32 @p0 $0x1  }
0x13: {  	[smem:$0x3FB4] =	sst s0;
	s0 =	simm.s32 @!p1 $0x0  }
0x14: {  	s2 =	sld [smem:$0x3F98];
	s0 =	simm.s32 @p1 $0x1  }
0x15: {  	[smem:$0x3FB5] =	sst s0;
	s0 =	simm.s32 @!p2 $0x0  }
0x16: {  	s3 =	sld [smem:$0x3FDB];
	s0 =	simm.s32 @p2 $0x1  }
0x17: {  	s4 =	simm.s32 $0x1BF5;
	[smem:$0x3FB7] =	sst s0  }
0x18: {  	s0 =	sld [smem:$0x3F9A];
	_ =	swait.ge [sflag:s4], $0x0  }
0x19: {  	s7 =	sld [smem:$0x3F9B]  }
0x1a: {  	s8 =	sadd.s32 $0xFFFFE003, lr  }
0x1b: {  	s9 =	sadd.s32 $0xFFFFFEF7, lr;
	s5 =	simm.s32 $0xFFFFFFFF;
	p2 =	slt.u32 s8, $0xFFFFF086  }
0x1c: {  	p1 =	slt.u32 s9, $0xF7A;
	s5 =	simm.s32 @!p2 $0x0  }
0x1d: {  	s5 =	simm.s32 @p1 $0x1;
	p0 =	seq.s32 s7, s2  }
0x1e: {  	s7 =	smul.u32 @!p0 $0xF7A, s2;
	p2 =	seq.s32 @!p0 s5, $0x0  }
0x1f: {  	s9 =	smul.u32 $0xF7A, s1;
	s8 =	simm.s32 @!p0 $0x1BF5;
	p2 =	por !p2, p0  }
0x20: {  	[sflag:s8] =	ssyncset.s32 @!p0 $0xFFFFF086;
	s6 =	sadd.s32 @!p0 s3, s7;
	s7 =	simm.s32 @!p0 $0x108  }
0x21: {  	s3 =	sadd.s32 s3, s9;
	s6 =	sadd.s32 @!p0 $0x88, s6;
	s7 =	simm.s32 @p2 $0x1082  }
0x22: {  	[simem:s7], [sflag:s8] =	dma.local @!p0 [hbm:s6], $0xF7A  }
0x23: {  	s9 =	sor.u32 $0xD0000000, s2;
	s6 =	simm.s32 $0x108;
	_ =	swait.ge @!p0 [sflag:s8], $0x0  }
0x24: {  	s3 =	sadd.s32 $0x88, s3;
	s6 =	simm.s32 @!p1 $0x1082;
	[sflag:s4] =	ssyncset.s32 $0xFFFFF086  }
0x25: {  	[simem:s6], [sflag:s4] =	dma.local [hbm:s3], $0xF7A  }
0x26: {  	[smem:$0x3F9B] =	sst s1;
	(tag) =	ssettag s2;
	_ =	strace s9  }
0x27: {  	s1 =	sld [smem:$0x3FAB]  }
0x28: {  	s2 =	sld [smem:$0x3FAC]  }
0x29: {  	s4 =	sld [smem:$0x3FAE]  }
0x2a: {  	p0 =	seq.s32 s5, $0x0;
	s5 =	sld [smem:$0x3FAF]  }
0x2b: {  	s6 =	sld [smem:$0x3FB0]  }
0x2c: {  	s7 =	sld [smem:$0x3FB1]  }
0x2d: {  	s3 =	simm.s32 $0x108;
	s8 =	sld [smem:$0x3FB2]  }
0x2e: {  	s3 =	simm.s32 @!p0 $0x1082;
	s9 =	sld [smem:$0x3FB3]  }
0x2f: {  	lr =	sadd.s32 s0, s3;
	s0 =	sld [smem:$0x3FAA]  }
0x30: {  	s3 =	sld [smem:$0x3FAD]  }
0x31: {  	[smem:$0x3FB6] =	sst s10  }
0x32: {  	s10 =	sld [smem:$0x3FB4];
	_ =	sdelay $0x3  }
0x33: {  	p0 =	seq.s32 s10, $0x1;
	s10 =	sld [smem:$0x3FB6];
	_ =	sdelay $0x3  }
0x34: {  	[smem:$0x3FB6] =	sst s10  }
0x35: {  	s10 =	sld [smem:$0x3FB5];
	_ =	sdelay $0x3  }
0x36: {  	p1 =	seq.s32 s10, $0x1;
	s10 =	sld [smem:$0x3FB6];
	_ =	sdelay $0x3  }
0x37: {  	[smem:$0x3FB6] =	sst s10  }
0x38: {  	s10 =	sld [smem:$0x3FB7]  }
0x39: {  	_ = 	snop;
	(pc) =	sbr.ind lr, $3  }
0x3a: {  	_ = 	snop  }
0x3b: {  	_ = 	snop  }
0x3c: {  	p2 =	seq.s32 s10, $0x1;
	s10 =	sld [smem:$0x3FB6]  }
0x3d: {  	_ =	shalt  }
0x3e: {  	_ =	shalt  }
0x3f: {  	_ =	shalt  }
0x40: {  	_ =	shalt  }
0x41: {  	_ =	shalt  }
0x42: {  	_ =	shalt  }
0x43: {  	_ =	shalt  }
0x44: {  	_ =	shalt  }
0x45: {  	_ =	shalt  }
0x46: {  	_ =	shalt  }
0x47: {  	_ =	shalt  }
0x48: {  	_ =	shalt  }
0x49: {  	_ =	shalt  }
0x4a: {  	_ =	shalt  }
0x4b: {  	_ =	shalt  }
0x4c: {  	_ =	shalt  }
0x4d: {  	_ =	shalt  }
0x4e: {  	_ =	shalt  }
0x4f: {  	_ =	shalt  }
0x50: {  	_ =	shalt  }
0x51: {  	_ =	shalt  }
0x52: {  	_ =	shalt  }
0x53: {  	_ =	shalt  }
0x54: {  	_ =	shalt  }
0x55: {  	_ =	shalt  }
0x56: {  	_ =	shalt  }
0x57: {  	_ =	shalt  }
0x58: {  	_ =	shalt  }
0x59: {  	_ =	shalt  }
0x5a: {  	_ =	shalt  }
0x5b: {  	_ =	shalt  }
0x5c: {  	_ =	shalt  }
0x5d: {  	_ =	shalt  }
0x5e: {  	_ =	shalt  }
0x5f: {  	_ =	shalt  }
0x60: {  	_ =	shalt  }
0x61: {  	_ =	shalt  }
0x62: {  	_ =	shalt  }
0x63: {  	_ =	shalt  }
0x64: {  	_ =	shalt  }
0x65: {  	_ =	shalt  }
0x66: {  	_ =	shalt  }
0x67: {  	_ =	shalt  }
0x68: {  	_ =	shalt  }
0x69: {  	_ =	shalt  }
0x6a: {  	_ =	shalt  }
0x6b: {  	_ =	shalt  }
0x6c: {  	_ =	shalt  }
0x6d: {  	_ =	shalt  }
0x6e: {  	_ =	shalt  }
0x6f: {  	_ =	shalt  }
0x70: {  	_ =	shalt  }
0x71: {  	_ =	shalt  }
0x72: {  	_ =	shalt  }
0x73: {  	_ =	shalt  }
0x74: {  	_ =	shalt  }
0x75: {  	_ =	shalt  }
0x76: {  	_ =	shalt  }
0x77: {  	_ =	shalt  }
0x78: {  	_ =	shalt  }
0x79: {  	_ =	shalt  }
0x7a: {  	_ =	shalt  }
0x7b: {  	_ =	shalt  }
0x7c: {  	_ =	shalt  }
0x7d: {  	_ =	shalt  }
0x7e: {  	_ =	shalt  }
0x7f: {  	_ =	shalt  }
0x80: {  	_ =	shalt  }
0x81: {  	_ =	shalt  }
0x82: {  	_ =	shalt  }
0x83: {  	_ =	shalt  }
0x84: {  	_ =	shalt  }
0x85: {  	_ =	shalt  }
0x86: {  	_ =	shalt  }
0x87: {  	_ =	shalt  }
.Lfunc_end0:
.L_simem_size_0:
called_computation_lowered:
.L_overlay_start_0:
0x88: {  	s2 =	sld [smem:$0x3FD9]  }
0x89: {  	s3 =	sld [smem:$0x3FFE];
	_ =	sdelay $0x1  }
0x8a: {  	s1 =	srdreg.scid  }
0x8b: {  	s0 =	sand.u32 $0x1, s1  }
0x8c: {  	s17 =	sshll.u32 s0, $0xA;
	s2 =	sadd.s32 s3, s2  }
0x8d: {  	s2 =	sadd.s32 s2, s17  }
0x8e: {  	[smem:$0x3FC2] =	sst s2  }
0x8f: {  	_ = 	snop  }
0x90: {  	s2 =	sld [smem:$0x3FD0];
	(tm) =	ssettm $0x1  }
0x91: {  	s18 =	sld [smem:$0x3FFB];
	_ =	sdelay $0x3  }
0x92: {  	_ =	strace s18  }
0x93: {  	s3 =	sld [smem:$0x3FFC];
	_ =	sdelay $0x3  }
0x94: {  	_ =	strace s3  }
0x95: {  	s3 =	sld [smem:$0x3FFD];
	_ =	sdelay $0x3  }
0x96: {  	_ =	strace s3  }
0x97: {  	_ =	strace $0x8FFFFFFF  }
0x98: {  	s19 =	sld [smem:$0x3FDB];
	_ =	sdelay $0x1  }
0x99: {  	s4 =	simm.s32 $_scs_section_size  }
0x9a: {  	s5 =	simm.s32 $_size__tile_overlayer_lowered;
	s6 =	simm.s32 $_tile_overlayer_lowered  }
0x9b: {  	s22 =	simm.s32 $0x1BFF;
	s21 =	sshll.u32 s6, $0x1;
	s3 =	sadd.s32 s4, s19  }
0x9c: {  	s7 =	simm.s32 $0x0;
	s20 =	sshll.u32 s5, $0x1;
	s5 =	sadd.s32 s21, s3  }
0x9d: {  	[timem:s7], [sflag:s22] =	dma.local [hbm:s5], s20  }
0x9e: {  	_ =	swait.ge [sflag:s22], s20  }
0x9f: {  	s4 =	ssub.s32 $0x0, s20;
	[sflag:s22] =	ssyncset.done $0x0  }
0xa0: {  	[sflag:s22] =	ssyncadd.s32 s4;
	_ =	sdelay $0x1  }
0xa1: {  	s23 =	simm.s32 $0x1B8B  }
0xa2: {  	_ =	swait.ge [sflag:s23], $0x1  }
0xa3: {  	[sflag:s23] =	ssyncset.done $0x0  }
0xa4: {  	s25 =	simm.s32 $0x1B8E;
	s24 =	sld [smem:$0x3FFE];
	[sflag:s23] =	ssyncadd.s32 $0xFFFFFFFF  }
0xa5: {  	s26 =	simm.s32 $execute0_lowered;
	[smem:$0x3FD2] =	sst s25  }
0xa6: {  	s5 =	sshll.u32 s26, $0x1;
	_ =	strace $0x80000046;
	[dreg:$0x1] =	wrdreg $0xFFFFFFFF  }
0xa7: {  	s28 =	simm.s32 $_size_execute0_lowered;
	s3 =	sadd.s32 s3, s5;
	[dreg:$0x0] =	wrdreg $0x0  }
0xa8: {  	s5 =	sshll.u32 s28, $0x1;
	[dreg:$0x2] =	wrdreg s3  }
0xa9: {  	[dreg:$0x3] =	wrdreg s5  }
0xaa: {  	[dreg:$0x4] =	wrdreg $0xC0  }
0xab: {  	_ =	task [dreg:s7], $0x5FFFF  }
0xac: {  	[dreg:$0x1] =	wrdreg $0xFFFFFFFF  }
0xad: {  	[dreg:$0x0] =	wrdreg $0x60  }
0xae: {  	[dreg:$0x2] =	wrdreg s2  }
0xaf: {  	[dreg:$0x3] =	wrdreg s24  }
0xb0: {  	[dreg:$0x4] =	wrdreg $0x9  }
0xb1: {  	_ =	task.clear_ibuf [dreg:s7], $0x5FFFF;
	_ =	strace $0x90000046  }
0xb2: {  	s29 =	simm.s32 $0x9;
	_ =	strace $0x80000048  }
0xb3: {  	_ =	swait.ge [sflag:s29], $0x1  }
0xb4: {  	[sflag:s29] =	ssyncadd.s32 $0xFFFFFFFF  }
0xb5: {  	_ =	strace $0x90000048  }
0xb6: {  	_ =	sfence  }
0xb7: {  	s30 =	sld [smem:$0x0];
	_ =	sdelay $0x2  }
0xb8: {  	s31 =	sshll.u32 s1, $0xD;
	s1 =	sshrl.u32 s1, $0x2  }
0xb9: {  	s3 =	sand.u32 $0x4000, s31;
	s1 =	sadd.s32 s1, s30  }
0xba: {  	s0 =	sor.u32 s3, s0;
	s1 =	sshll.u32 s1, $0x11  }
0xbb: {  	s0 =	sor.u32 s1, s0  }
0xbc: {  	s0 =	sadd.s32 $0x8F2B, s0  }
0xbd: {  	[sflag:s0] =	ssyncadd.remote.s32 $0x1  }
0xbe: {  	_ =	sfence.sel $0xFFFF  }
0xbf: {  	[dreg:$0x0] =	wrdreg $0xFFFFFFFF;
	(pc) =	sbr.abs _section_cstart, $3  }
0xc0: {  	[dreg:$0x1] =	wrdreg $0xFFFFFFFF  }
0xc1: {  	_ =	task.clear_ibuf [dreg:s7], $0x2FFFF;
	_ =	strace $0x9FFFFFFF  }
0xc2: {  	(tm) =	ssettm $0x7FFFFFFF  }
0xc3: {  	_ =	shalt  }
tec
execute0_lowered:
.L_overlay_start_1:
0x0: {  	(tag) =	ssettag $0x1  }
0x1: {  	s3 =	rddreg [dreg:$0x0]  }
0x2: {  	s7 =	rddreg [dreg:$0x1];
	s2 =	srdreg.scid  }
0x3: {  	s0 =	rddreg [dreg:$0x2];
	s1 =	stileid.u32;
	s8 =	sand.u32 $0x1, s2  }
0x4: {  	s2 =	simm.s32 $0x0;
	s4 =	sshll.u32 s1, $0x6;
	s5 =	sshll.u32 s8, $0x5  }
0x5: {  	[smem:$0x7FF] =	sst s2;
	s9 =	sor.u32 s5, s4  }
0x6: {  	_ =	strace $0x80000047;
	s4 =	sadd.s32 s3, s9;
	s3 =	simm.s32 $0x1  }
0x7: {  	[tilespmem:s2], [sflag:$0x1] =	stream.linear.gather [hbm4b:s4+s2], $0x100, $0x38;
	[tilespmem:$0x280] =	vst v63  }
0x8: {  	_ =	swait.ge [sflag:s3], $0x100  }
0x9: {  	[sflag:s3] =	ssyncset.done $0x0  }
0xa: {  	[sflag:s3] =	ssyncadd.s32 $0xFFFFFF00  }
0xb: {  	v1 =	vld [tilespmem:$0x0];
	_ =	sdelay $0x3  }
0xc: {  	v0 =	vlaneseq.u32  }
0xd: {  	(xrf1) =	vsort.dscd.msk.f32 $0xffff, v1, v0;
	_ =	sdelay $0xd  }
0xe: {  	v1, v2, _ =	vpop (xrf1)  }
0xf: {  	v1 =	vmul.f32 $1.442695020e+00, v1;
	_ =	sdelay $0x1  }
0x10: {  	(erf) = vpow2.f32 v1;
	_ =	sdelay $0x4  }
0x11: {  	v1 =	vshra.s32 v2, $0x1F  }
0x12: {  	v1 =	vand.u32 v1, v2  }
0x13: {  	v3 =	vadd.s32 $0x1, v1;
	_ =	sdelay $0x1  }
0x14: {  	v4 =	vpop (erf)  }
0x15: {  	s5 =	simm.s32 $0x200;
	[tilespmem:$0x200] =	vst v4  }
0x16: {  	v5 =	vld.idx.msk [tilespmem:v1+s5+$0x0], $0xffff  }
0x17: {  	v3 =	vld.idx.msk [tilespmem:v3+s5+$0x0], $0xffff;
	_ =	sdelay $0x4  }
0x18: {  	v3 =	vadd.f32 v3, v5;
	_ =	sdelay $0x1  }
0x19: {  	(erf) = vrcp.f32 v3;
	_ =	sdelay $0x5  }
0x1a: {  	v1 =	vshll.u32 v1, $0x7;
	v3 =	vand.u32 $0xFFFFFF80, v2;
	v2 =	vand.u32 $0x7F, v2  }
0x1b: {  	v1 =	vadd.s32 v3, v1  }
0x1c: {  	v1 =	vor.u32 v2, v1  }
0x1d: {  	v2 =	vpop (erf)  }
0x1e: {  	v2 =	vmul.f32 v2, v4  }
0x1f: {  	vm0 =	vmmov $0x3  }
0x20: {  	s6 =	simm.s32 $0x100;
	v2 =	vnsel vm0, $0x0, v2  }
0x21: {  	[tilespmem:v1+s6+$0x0] =	vst.idx.msk $0xffff, v2  }
0x22: {  	v1 =	vld [tilespmem:$0x80];
	_ =	sdelay $0x4  }
0x23: {  	(xrf1) =	vsort.dscd.msk.f32 $0xffff, v1, v0;
	_ =	sdelay $0xd  }
0x24: {  	v1, v2, _ =	vpop (xrf1)  }
0x25: {  	v1 =	vmul.f32 $1.442695020e+00, v1;
	_ =	sdelay $0x1  }
0x26: {  	(erf) = vpow2.f32 v1;
	_ =	sdelay $0x4  }
0x27: {  	v1 =	vshra.s32 v2, $0x1F  }
0x28: {  	v1 =	vand.u32 v1, v2  }
0x29: {  	v3 =	vadd.s32 $0x1, v1;
	_ =	sdelay $0x1  }
0x2a: {  	v62 =	vpop (erf)  }
0x2b: {  	[tilespmem:$0x200] =	vst v62  }
0x2c: {  	v1 =	vld.idx.msk [tilespmem:v1+s5+$0x0], $0xffff  }
0x2d: {  	v63 =	vld.idx.msk [tilespmem:v3+s5+$0x0], $0xffff;
	_ =	sdelay $0x4  }
0x2e: {  	v1 =	vadd.f32 v63, v1;
	_ =	sdelay $0x1  }
0x2f: {  	(erf) = vrcp.f32 v1;
	_ =	sdelay $0x4  }
0x30: {  	s8 =	ssub.s32 $0x2, s8  }
0x31: {  	s10 =	sshrl.u32 s8, $0x1;
	v3 =	vshll.u32 v3, $0x7;
	v1 =	vand.u32 $0xFFFFFF80, v2;
	v2 =	vand.u32 $0x7F, v2  }
0x32: {  	s8 =	ssub.s32 s8, s10;
	v1 =	vadd.s32 v1, v3  }
0x33: {  	s8 =	smax.u32 s8, $0x1;
	v1 =	vor.u32 v2, v1  }
0x34: {  	p0 =	sne.s32 s8, $0x1;
	v2 =	vpop (erf)  }
.Ltmp0:
0x35: {  	v2 =	vmul.f32 v2, v62;
	(pc) =	sbr.rel @!p0 .LBB2_2-.Ltmp0, $4  }
0x36: {  	_ = 	snop  }
0x37: {  	s7 =	sadd.s32 s9, s7;
	v2 =	vnsel vm0, $0x0, v2  }
0x38: {  	s7 =	sadd.s32 $0xC00, s7;
	s8 =	sadd.s32 $0xFFFFFFFF, s8;
	[tilespmem:v1+s6+$0x0] =	vst.idx.msk $0xffff, v2  }
0x39: {  	[hbm4b:s7+s2] =	stream.linear.scatter [tilespmem:s6], [sflag:$0x1], $0x100, $0x38;
	[tilespmem:$0x280] =	vst v63  }
.LBB2_1:
0x3a: {  	p0 =	sne.s32 s8, $0x1;
	s8 =	sadd.s32 $0xFFFFFFFF, s8;
	_ =	swait.ge [sflag:s3], $0x100  }
0x3b: {  	[sflag:s3] =	ssyncset.done $0x0  }
0x3c: {  	[sflag:s3] =	ssyncadd.s32 $0xFFFFFF00  }
0x3d: {  	[tilespmem:s2], [sflag:$0x1] =	stream.linear.gather [hbm4b:s4+s2], $0x100, $0x38;
	[tilespmem:$0x280] =	vst v63  }
0x3e: {  	_ =	swait.ge [sflag:s3], $0x100  }
0x3f: {  	[sflag:s3] =	ssyncset.done $0x0  }
0x40: {  	[sflag:s3] =	ssyncadd.s32 $0xFFFFFF00  }
0x41: {  	v1 =	vld [tilespmem:$0x0];
	_ =	sdelay $0x4  }
0x42: {  	(xrf1) =	vsort.dscd.msk.f32 $0xffff, v1, v0;
	_ =	sdelay $0xd  }
0x43: {  	v1, v2, _ =	vpop (xrf1)  }
0x44: {  	v1 =	vmul.f32 $1.442695020e+00, v1;
	v3 =	vshra.s32 v2, $0x1F  }
0x45: {  	v3 =	vand.u32 v3, v2  }
0x46: {  	v4 =	vand.u32 $0xFFFFFF80, v2;
	v5 =	vshll.u32 v3, $0x7;
	(erf) = vpow2.f32 v1  }
0x47: {  	v1 =	vadd.s32 v4, v5;
	_ =	sdelay $0x4  }
0x48: {  	v4 =	vadd.s32 $0x1, v3;
	_ =	sdelay $0x2  }
0x49: {  	v5 =	vpop (erf)  }
0x4a: {  	[tilespmem:$0x200] =	vst v5  }
0x4b: {  	v3 =	vld.idx.msk [tilespmem:v3+s5+$0x0], $0xffff  }
0x4c: {  	v4 =	vld.idx.msk [tilespmem:v4+s5+$0x0], $0xffff;
	_ =	sdelay $0x5  }
0x4d: {  	v3 =	vadd.f32 v4, v3;
	_ =	sdelay $0x1  }
0x4e: {  	(erf) = vrcp.f32 v3;
	_ =	sdelay $0x5  }
0x4f: {  	v2 =	vand.u32 $0x7F, v2  }
0x50: {  	v1 =	vor.u32 v2, v1;
	_ =	sdelay $0x1  }
0x51: {  	v2 =	vpop (erf)  }
0x52: {  	v2 =	vmul.f32 v2, v5;
	_ =	sdelay $0x1  }
0x53: {  	v2 =	vnsel vm0, $0x0, v2  }
0x54: {  	[tilespmem:v1+s6+$0x0] =	vst.idx.msk $0xffff, v2  }
0x55: {  	v1 =	vld [tilespmem:$0x80];
	_ =	sdelay $0x4  }
0x56: {  	(xrf1) =	vsort.dscd.msk.f32 $0xffff, v1, v0;
	_ =	sdelay $0xd  }
0x57: {  	v1, v2, _ =	vpop (xrf1)  }
0x58: {  	v1 =	vmul.f32 $1.442695020e+00, v1;
	v3 =	vshra.s32 v2, $0x1F  }
0x59: {  	v3 =	vand.u32 v3, v2  }
0x5a: {  	(erf) = vpow2.f32 v1;
	_ =	sdelay $0x5  }
0x5b: {  	v1 =	vadd.s32 $0x1, v3  }
0x5c: {  	v4 =	vand.u32 $0xFFFFFF80, v2;
	v6 =	vshll.u32 v1, $0x7  }
0x5d: {  	v4 =	vadd.s32 v4, v6  }
0x5e: {  	v5 =	vpop (erf)  }
0x5f: {  	[tilespmem:$0x200] =	vst v5  }
0x60: {  	v3 =	vld.idx.msk [tilespmem:v3+s5+$0x0], $0xffff  }
0x61: {  	v1 =	vld.idx.msk [tilespmem:v1+s5+$0x0], $0xffff;
	_ =	sdelay $0x5  }
0x62: {  	v1 =	vadd.f32 v1, v3;
	_ =	sdelay $0x1  }
0x63: {  	(erf) = vrcp.f32 v1;
	_ =	sdelay $0x4  }
0x64: {  	v1 =	vand.u32 $0x7F, v2  }
0x65: {  	v1 =	vor.u32 v1, v4;
	_ =	sdelay $0x2  }
0x66: {  	v2 =	vpop (erf)  }
.Ltmp1:
0x67: {  	v2 =	vmul.f32 v2, v5;
	(pc) =	sbr.rel @p0 .LBB2_1-.Ltmp1, $4  }
0x68: {  	_ = 	snop  }
0x69: {  	v2 =	vnsel vm0, $0x0, v2  }
0x6a: {  	[tilespmem:v1+s6+$0x0] =	vst.idx.msk $0xffff, v2  }
0x6b: {  	[hbm4b:s7+s2] =	stream.linear.scatter [tilespmem:s6], [sflag:$0x1], $0x100, $0x38;
	[tilespmem:$0x280] =	vst v63  }
.LBB2_2:
0x6c: {  	_ =	swait.ge [sflag:s3], $0x100  }
0x6d: {  	[sflag:s3] =	ssyncset.done $0x0  }
0x6e: {  	[sflag:s3] =	ssyncadd.s32 $0xFFFFFF00  }
0x6f: {  	_ =	sfence.sel $0x180000  }
0x70: {  	[bflag:$0x0] =	sbarrier.arrive $0xFFFF  }
0x71: {  	p0 =	sne.s32 s1, $0x0;
	_ =	strace $0x90000047  }
0x72: {  	s0 =	sadd.s32 @!p0 $0x100000, s0;
	[bflag:$0x2] =	sbarrier.arrive $0xFFFF  }
0x73: {  	[sflag:s0] =	ssyncadd.tile.s32 @!p0 $0x1;
	_ =	shalt  }
.Lfunc_end2:
_tile_overlayer_lowered:
.L_overlay_start_2:
0x74: {  	(tag) =	ssettag $0x2  }
0x75: {  	s0 =	rddreg [dreg:$0x0];
	s2 =	stileid.u32  }
0x76: {  	s1 =	rddreg [dreg:$0x1];
	p0 =	sne.s32 s2, $0x0  }
0x77: {  	s3 =	rddreg [dreg:$0x2];
	[bflag:$0x3] =	sbarrier.arrive $0xFFFF;
	s2 =	simm.s32 @!p0 $0x1C01  }
0x78: {  	[timem:s3], [sflag:s2] =	dma.local @!p0 [hbm:s0], s1  }
0x79: {  	s0 =	simm.s32 @!p0 $0x1  }
0x7a: {  	_ =	swait.ge @!p0 [sflag:s0], s1  }
0x7b: {  	s1 =	ssub.s32 @!p0 $0x0, s1;
	[sflag:s0] =	ssyncset.done @!p0 $0x0  }
0x7c: {  	[sflag:s0] =	ssyncadd.s32 @!p0 s1  }
0x7d: {  	[bflag:$0x3] =	sbarrier.arrive $0xFFFF  }
0x7e: {  	_ =	shalt  }

</sc_bundles>
